<compile_context>
chip_gen: v7x
topology: tpu7x:2x2x1
jax: 0.10.2.dev20260603
libtpu: 0.0.44.dev20260713+nightly
codegen_flags: <defaults>
</compile_context>

<pallas_src>
import functools

import jax
import jax.numpy as jnp
from jax import lax
from jax.experimental import pallas as pl
from jax.experimental.pallas import tpu as pltpu
from jax.experimental.pallas import tpu_sc as plsc

NQ = 50000
NL = 64
H = 64
E = 800000


Q_BLOCK = 2000


def _score_body(qf, lf, wq, bq, wl, bl, out):
    qh = jnp.dot(qf[...], wq[...], preferred_element_type=jnp.float32) + bq[...]
    qn = qh / jnp.maximum(jnp.sqrt(jnp.sum(qh * qh, axis=1, keepdims=True)), 1e-12)
    lh = jnp.dot(lf[...], wl[...], preferred_element_type=jnp.float32) + bl[...]
    ln = lh / jnp.maximum(jnp.sqrt(jnp.sum(lh * lh, axis=1, keepdims=True)), 1e-12)
    w2 = jnp.concatenate([ln.T, jnp.zeros((H, 128 - NL), jnp.float32)], axis=1)
    s = jnp.dot(qn, w2, preferred_element_type=jnp.float32)
    out[...] = jax.nn.sigmoid(s)


def _score_matrix(qf, lf, wq, bq, wl, bl):
    qd = qf.shape[1]
    ld = lf.shape[1]
    return pl.pallas_call(
        _score_body,
        grid=(NQ // Q_BLOCK,),
        in_specs=[
            pl.BlockSpec((Q_BLOCK, qd), lambda i: (i, 0)),
            pl.BlockSpec((NL, ld), lambda i: (0, 0)),
            pl.BlockSpec((qd, H), lambda i: (0, 0)),
            pl.BlockSpec((1, H), lambda i: (0, 0)),
            pl.BlockSpec((ld, H), lambda i: (0, 0)),
            pl.BlockSpec((1, H), lambda i: (0, 0)),
        ],
        out_specs=pl.BlockSpec((Q_BLOCK, 128), lambda i: (i, 0)),
        out_shape=jax.ShapeDtypeStruct((NQ, 128), jnp.float32),
    )(qf, lf, wq, bq.reshape(1, H), wl, bl.reshape(1, H))



NC, NS = 2, 16
NW = NC * NS
ROW = 128
GSIZE = 14
GROUPS = 14
NROW_W = GROUPS * GSIZE
CHUNK = NROW_W * ROW
E_PAD = NW * CHUNK


E_ROWS = E // 128
PAD_ROWS = E_PAD // 128
IDX_GRID = 16
IDX_BLOCK = PAD_ROWS // IDX_GRID


def _idx_body(src, dst, out):
    i = pl.program_id(0)
    rows = lax.broadcasted_iota(jnp.int32, (IDX_BLOCK, 128), 0) + i * IDX_BLOCK
    flat = src[0] * 128 + dst[0] - NQ
    out[...] = jnp.where(rows < E_ROWS, flat, 0)


def _flat_indices(edge_index):
    ei = edge_index.astype(jnp.int32).reshape(2, E_ROWS, 128)
    return pl.pallas_call(
        _idx_body,
        grid=(IDX_GRID,),
        in_specs=[
            pl.BlockSpec((1, IDX_BLOCK, 128), lambda i: (0, i, 0)),
            pl.BlockSpec((1, IDX_BLOCK, 128), lambda i: (1, i, 0)),
        ],
        out_specs=pl.BlockSpec((IDX_BLOCK, 128), lambda i: (i, 0)),
        out_shape=jax.ShapeDtypeStruct((PAD_ROWS, 128), jnp.int32),
    )(ei, ei)



_mesh = plsc.VectorSubcoreMesh(
    core_axis_name="c", subcore_axis_name="s", num_cores=NC, num_subcores=NS
)


@functools.partial(
    pl.kernel,
    out_type=jax.ShapeDtypeStruct((NW, NROW_W, ROW), jnp.float32),
    mesh=_mesh,
    scratch_types=[
        pltpu.VMEM((CHUNK,), jnp.int32),
        pltpu.VMEM((NROW_W, ROW), jnp.float32),
        pltpu.SemaphoreType.DMA,
    ],
)
def _gather_scores(p_hbm, idx_hbm, out_hbm, idx_v, val_v, sem):
    wid = lax.axis_index("s") * NC + lax.axis_index("c")
    base = wid * CHUNK
    pltpu.sync_copy(idx_hbm.at[pl.ds(base, CHUNK)], idx_v)

    def g_body(g, _):
        for b in range(GSIZE):
            r = g * GSIZE + b
            pltpu.async_copy(
                p_hbm.at[idx_v.at[pl.ds(r * ROW, ROW)]],
                val_v.at[r],
                sem,
            )
        return 0

    lax.fori_loop(0, GROUPS, g_body, 0)
    pltpu.make_async_copy(out_hbm.at[wid], val_v, sem).wait()

    pltpu.sync_copy(val_v, out_hbm.at[wid])


def kernel(query_features, llm_features, edge_index, edge_attr, edge_mask, visible_mask, Wq, bq, Wl, bl):
    p = _score_matrix(query_features, llm_features, Wq, bq, Wl, bl)
    idx = _flat_indices(edge_index)
    out3d = _gather_scores(p.reshape(-1), idx.reshape(-1))
    return out3d.reshape(-1)[:E]

# --- scband reference (transcript-rebuilt; emitter-appended) ---
"""Pipeline reference for scband-encoder-decoder-net-4114578670271 (READ-ONLY COPY).

The authoritative reference and input builder live on the scoring server;
editing this copy changes nothing except your own understanding.
"""

import jax, jax.numpy as jnp
import numpy as np

NUM_QUERIES = 50000
NUM_LLMS = 64
NUM_EDGES = 800000
QUERY_DIM = 128
LLM_DIM = 256
HIDDEN = 64
EDGE_DIM = 4


def setup_inputs(seed: int = 0) -> dict:
    key = jax.random.key(seed)
    ks = jax.random.split(key, 8)
    query_features = jax.random.normal(ks[0], (NUM_QUERIES, QUERY_DIM), dtype=jnp.float32)
    llm_features = jax.random.normal(ks[1], (NUM_LLMS, LLM_DIM), dtype=jnp.float32)
    src = jax.random.randint(ks[2], (NUM_EDGES,), 0, NUM_QUERIES)
    dst = jax.random.randint(ks[3], (NUM_EDGES,), NUM_QUERIES, NUM_QUERIES + NUM_LLMS)
    edge_index = jnp.stack([src, dst], axis=0)
    edge_attr = jax.random.uniform(ks[4], (NUM_EDGES, EDGE_DIM), dtype=jnp.float32)
    edge_mask = jnp.ones((NUM_EDGES,), dtype=bool)
    visible_mask = jnp.ones((NUM_EDGES,), dtype=bool)
    # FeatureAlign parameters (nn.Linear weights stored transposed for x @ W + b)
    Wq = jax.random.normal(ks[5], (QUERY_DIM, HIDDEN), dtype=jnp.float32) * (1.0 / np.sqrt(QUERY_DIM))
    bq = jnp.zeros((HIDDEN,), dtype=jnp.float32)
    Wl = jax.random.normal(ks[6], (LLM_DIM, HIDDEN), dtype=jnp.float32) * (1.0 / np.sqrt(LLM_DIM))
    bl = jnp.zeros((HIDDEN,), dtype=jnp.float32)
    return {
        "query_features": query_features,
        "llm_features": llm_features,
        "edge_index": edge_index,
        "edge_attr": edge_attr,
        "edge_mask": edge_mask,
        "visible_mask": visible_mask,
        "Wq": Wq,
        "bq": bq,
        "Wl": Wl,
        "bl": bl,
    }


def _l2_normalize(x, eps=1e-12):
    # matches F.normalize(x, p=2, dim=1)
    n = jnp.linalg.norm(x, axis=1, keepdims=True)
    return x / jnp.maximum(n, eps)


def reference(query_features, llm_features, edge_index, edge_attr, edge_mask, visible_mask, Wq, bq, Wl, bl):
    num_queries = query_features.shape[0]
    # FeatureAlign
    aligned_query = query_features @ Wq + bq
    aligned_llm = llm_features @ Wl + bl
    query_hidden = _l2_normalize(aligned_query)
    llm_hidden = _l2_normalize(aligned_llm)
    # select edges to predict (edge_mask is all-True -> shape preserved)
    predict_edge_index = jnp.where(edge_mask[None, :], edge_index, 0)
    src_features = jnp.take(query_hidden, predict_edge_index[0], axis=0)
    llm_indices = predict_edge_index[1] - num_queries
    dst_features = jnp.take(llm_hidden, llm_indices, axis=0)
    scores = (src_features * dst_features).sum(axis=-1)
    scores = jax.nn.sigmoid(scores)
    return scores

if __name__ == "__main__":
    import jax
    _d = setup_inputs()
    print(jax.jit(kernel)(*tuple(_d.values())))

</pallas_src>

<mosaic_0001>
#map = affine_map<(d0, d1) -> (0)>
#map1 = affine_map<(d0, d1) -> (0, 0, 0)>
module attributes {stable_mosaic.version = 14 : i64} {
  func.func @_gather_scores(%arg0: i32, %arg1: i32, %arg2: memref<6400000xf32, #tpu.memory_space<hbm>>, %arg3: memref<802816xi32, #tpu.memory_space<hbm>>, %arg4: memref<32x196x128xf32, #tpu.memory_space<hbm>>, %arg5: memref<25088xi32, #tpu.memory_space<vmem>>, %arg6: memref<196x128xf32, #tpu.memory_space<vmem>>, %arg7: memref<!tpu.dma_semaphore, #tpu.memory_space<semaphore_mem>>) attributes {dimension_semantics = [#tpu.dimension_semantics<core_parallel>, #tpu.dimension_semantics<subcore_parallel>], iteration_bounds = array<i64: 2, 16>, scalar_prefetch = 0 : i64, scratch_operands = 3 : i64, tpu.core_type = #tpu.core_type<sc_vector_subcore>, window_params = [{transform_indices = #map}, {transform_indices = #map}, {transform_indices = #map1}]} {
    %mul3A = arith.constant 2 : i32
    %mul3A_0 = arith.muli %arg1, %mul3A : i32
    %add3A = arith.addi %mul3A_0, %arg0 : i32
    %mul3A_1 = arith.constant 25088 : i32
    %mul3A_2 = arith.muli %add3A, %mul3A_1 : i32
    "tpu.region"() ({
      %run_scoped3A = tpu.sem_alloc : memref<!tpu.dma_semaphore, #tpu.memory_space<semaphore_mem>>
      %dma_start3A = tpu.memref_slice %arg3[%mul3A_2] : memref<802816xi32, #tpu.memory_space<hbm>> -> memref<25088xi32, #tpu.memory_space<hbm>>
      %dma_start3A_16 = tpu.memref_slice %arg3[%mul3A_2] : memref<802816xi32, #tpu.memory_space<hbm>> -> memref<25088xi32, #tpu.memory_space<hbm>>
      tpu.enqueue_dma source(%dma_start3A_16 : memref<25088xi32, #tpu.memory_space<hbm>>) target(%arg5 : memref<25088xi32, #tpu.memory_space<vmem>>) target_semaphore(%run_scoped3A : memref<!tpu.dma_semaphore, #tpu.memory_space<semaphore_mem>>)
      %dma_wait3A_17 = tpu.memref_slice %arg3[%mul3A_2] : memref<802816xi32, #tpu.memory_space<hbm>> -> memref<25088xi32, #tpu.memory_space<hbm>>
      %dma_wait3A_18 = tpu.memref_slice %arg3[%mul3A_2] : memref<802816xi32, #tpu.memory_space<hbm>> -> memref<25088xi32, #tpu.memory_space<hbm>>
      tpu.wait_dma2 semaphore(%run_scoped3A : memref<!tpu.dma_semaphore, #tpu.memory_space<semaphore_mem>>) src(%dma_wait3A_18 : memref<25088xi32, #tpu.memory_space<hbm>>) dst(%arg5 : memref<25088xi32, #tpu.memory_space<vmem>>)
      tpu.yield
    }) : () -> ()
    %scan3A = arith.constant 0 : i32
    %scan3A_3 = arith.constant 0 : i32
    %scan3A_4 = arith.constant 14 : i32
    %scan3A_5 = arith.addi %scan3A_3, %scan3A_4 : i32
    %scan3A_6 = arith.constant 1 : i32
    %scan3A_7 = scf.for %scan3A_16 = %scan3A_3 to %scan3A_5 step %scan3A_6 iter_args(%scan3A_17 = %scan3A) -> (i32)  : i32 {
      %mul3A_18 = arith.constant 14 : i32
      %mul3A_19 = arith.muli %scan3A_16, %mul3A_18 : i32
      %add3A_20 = arith.constant 0 : i32
      %add3A_21 = arith.addi %mul3A_19, %add3A_20 : i32
      %mul3A_22 = arith.constant 128 : i32
      %mul3A_23 = arith.muli %add3A_21, %mul3A_22 : i32
      %dma_start3A = arith.constant 0 : i32
      %dma_start3A_24 = tpu.memref_slice %arg6[%add3A_21, %dma_start3A] : memref<196x128xf32, #tpu.memory_space<vmem>> -> memref<1x128xf32, #tpu.memory_space<vmem>>
      %dma_start3A_25 = tpu.memref_squeeze %dma_start3A_24 : memref<1x128xf32, #tpu.memory_space<vmem>> -> memref<128xf32, #tpu.memory_space<vmem>>
      %dma_start3A_26 = tpu.memref_slice %arg5[%mul3A_23] : memref<25088xi32, #tpu.memory_space<vmem>> -> memref<128xi32, #tpu.memory_space<vmem>>
      %dma_start3A_27 = arith.constant 0 : i32
      %dma_start3A_28 = tpu.memref_slice %arg2[%dma_start3A_27] : memref<6400000xf32, #tpu.memory_space<hbm>> -> memref<6400000xf32, #tpu.memory_space<hbm>>
      tpu.enqueue_indirect_dma source(%dma_start3A_28 : memref<6400000xf32, #tpu.memory_space<hbm>>) target(%dma_start3A_25 : memref<128xf32, #tpu.memory_space<vmem>>) offsets(%dma_start3A_26 : memref<128xi32, #tpu.memory_space<vmem>>) semaphore(%arg7 : memref<!tpu.dma_semaphore, #tpu.memory_space<semaphore_mem>>)
      %mul3A_29 = arith.constant 14 : i32
      %mul3A_30 = arith.muli %scan3A_16, %mul3A_29 : i32
      %add3A_31 = arith.constant 1 : i32
      %add3A_32 = arith.addi %mul3A_30, %add3A_31 : i32
      %mul3A_33 = arith.constant 128 : i32
      %mul3A_34 = arith.muli %add3A_32, %mul3A_33 : i32
      %dma_start3A_35 = arith.constant 0 : i32
      %dma_start3A_36 = tpu.memref_slice %arg6[%add3A_32, %dma_start3A_35] : memref<196x128xf32, #tpu.memory_space<vmem>> -> memref<1x128xf32, #tpu.memory_space<vmem>>
      %dma_start3A_37 = tpu.memref_squeeze %dma_start3A_36 : memref<1x128xf32, #tpu.memory_space<vmem>> -> memref<128xf32, #tpu.memory_space<vmem>>
      %dma_start3A_38 = tpu.memref_slice %arg5[%mul3A_34] : memref<25088xi32, #tpu.memory_space<vmem>> -> memref<128xi32, #tpu.memory_space<vmem>>
      %dma_start3A_39 = arith.constant 0 : i32
      %dma_start3A_40 = tpu.memref_slice %arg2[%dma_start3A_39] : memref<6400000xf32, #tpu.memory_space<hbm>> -> memref<6400000xf32, #tpu.memory_space<hbm>>
      tpu.enqueue_indirect_dma source(%dma_start3A_40 : memref<6400000xf32, #tpu.memory_space<hbm>>) target(%dma_start3A_37 : memref<128xf32, #tpu.memory_space<vmem>>) offsets(%dma_start3A_38 : memref<128xi32, #tpu.memory_space<vmem>>) semaphore(%arg7 : memref<!tpu.dma_semaphore, #tpu.memory_space<semaphore_mem>>)
      %mul3A_41 = arith.constant 14 : i32
      %mul3A_42 = arith.muli %scan3A_16, %mul3A_41 : i32
      %add3A_43 = arith.constant 2 : i32
      %add3A_44 = arith.addi %mul3A_42, %add3A_43 : i32
      %mul3A_45 = arith.constant 128 : i32
      %mul3A_46 = arith.muli %add3A_44, %mul3A_45 : i32
      %dma_start3A_47 = arith.constant 0 : i32
      %dma_start3A_48 = tpu.memref_slice %arg6[%add3A_44, %dma_start3A_47] : memref<196x128xf32, #tpu.memory_space<vmem>> -> memref<1x128xf32, #tpu.memory_space<vmem>>
      %dma_start3A_49 = tpu.memref_squeeze %dma_start3A_48 : memref<1x128xf32, #tpu.memory_space<vmem>> -> memref<128xf32, #tpu.memory_space<vmem>>
      %dma_start3A_50 = tpu.memref_slice %arg5[%mul3A_46] : memref<25088xi32, #tpu.memory_space<vmem>> -> memref<128xi32, #tpu.memory_space<vmem>>
      %dma_start3A_51 = arith.constant 0 : i32
      %dma_start3A_52 = tpu.memref_slice %arg2[%dma_start3A_51] : memref<6400000xf32, #tpu.memory_space<hbm>> -> memref<6400000xf32, #tpu.memory_space<hbm>>
      tpu.enqueue_indirect_dma source(%dma_start3A_52 : memref<6400000xf32, #tpu.memory_space<hbm>>) target(%dma_start3A_49 : memref<128xf32, #tpu.memory_space<vmem>>) offsets(%dma_start3A_50 : memref<128xi32, #tpu.memory_space<vmem>>) semaphore(%arg7 : memref<!tpu.dma_semaphore, #tpu.memory_space<semaphore_mem>>)
      %mul3A_53 = arith.constant 14 : i32
      %mul3A_54 = arith.muli %scan3A_16, %mul3A_53 : i32
      %add3A_55 = arith.constant 3 : i32
      %add3A_56 = arith.addi %mul3A_54, %add3A_55 : i32
      %mul3A_57 = arith.constant 128 : i32
      %mul3A_58 = arith.muli %add3A_56, %mul3A_57 : i32
      %dma_start3A_59 = arith.constant 0 : i32
      %dma_start3A_60 = tpu.memref_slice %arg6[%add3A_56, %dma_start3A_59] : memref<196x128xf32, #tpu.memory_space<vmem>> -> memref<1x128xf32, #tpu.memory_space<vmem>>
      %dma_start3A_61 = tpu.memref_squeeze %dma_start3A_60 : memref<1x128xf32, #tpu.memory_space<vmem>> -> memref<128xf32, #tpu.memory_space<vmem>>
      %dma_start3A_62 = tpu.memref_slice %arg5[%mul3A_58] : memref<25088xi32, #tpu.memory_space<vmem>> -> memref<128xi32, #tpu.memory_space<vmem>>
      %dma_start3A_63 = arith.constant 0 : i32
      %dma_start3A_64 = tpu.memref_slice %arg2[%dma_start3A_63] : memref<6400000xf32, #tpu.memory_space<hbm>> -> memref<6400000xf32, #tpu.memory_space<hbm>>
      tpu.enqueue_indirect_dma source(%dma_start3A_64 : memref<6400000xf32, #tpu.memory_space<hbm>>) target(%dma_start3A_61 : memref<128xf32, #tpu.memory_space<vmem>>) offsets(%dma_start3A_62 : memref<128xi32, #tpu.memory_space<vmem>>) semaphore(%arg7 : memref<!tpu.dma_semaphore, #tpu.memory_space<semaphore_mem>>)
      %mul3A_65 = arith.constant 14 : i32
      %mul3A_66 = arith.muli %scan3A_16, %mul3A_65 : i32
      %add3A_67 = arith.constant 4 : i32
      %add3A_68 = arith.addi %mul3A_66, %add3A_67 : i32
      %mul3A_69 = arith.constant 128 : i32
      %mul3A_70 = arith.muli %add3A_68, %mul3A_69 : i32
      %dma_start3A_71 = arith.constant 0 : i32
      %dma_start3A_72 = tpu.memref_slice %arg6[%add3A_68, %dma_start3A_71] : memref<196x128xf32, #tpu.memory_space<vmem>> -> memref<1x128xf32, #tpu.memory_space<vmem>>
      %dma_start3A_73 = tpu.memref_squeeze %dma_start3A_72 : memref<1x128xf32, #tpu.memory_space<vmem>> -> memref<128xf32, #tpu.memory_space<vmem>>
      %dma_start3A_74 = tpu.memref_slice %arg5[%mul3A_70] : memref<25088xi32, #tpu.memory_space<vmem>> -> memref<128xi32, #tpu.memory_space<vmem>>
      %dma_start3A_75 = arith.constant 0 : i32
      %dma_start3A_76 = tpu.memref_slice %arg2[%dma_start3A_75] : memref<6400000xf32, #tpu.memory_space<hbm>> -> memref<6400000xf32, #tpu.memory_space<hbm>>
      tpu.enqueue_indirect_dma source(%dma_start3A_76 : memref<6400000xf32, #tpu.memory_space<hbm>>) target(%dma_start3A_73 : memref<128xf32, #tpu.memory_space<vmem>>) offsets(%dma_start3A_74 : memref<128xi32, #tpu.memory_space<vmem>>) semaphore(%arg7 : memref<!tpu.dma_semaphore, #tpu.memory_space<semaphore_mem>>)
      %mul3A_77 = arith.constant 14 : i32
      %mul3A_78 = arith.muli %scan3A_16, %mul3A_77 : i32
      %add3A_79 = arith.constant 5 : i32
      %add3A_80 = arith.addi %mul3A_78, %add3A_79 : i32
      %mul3A_81 = arith.constant 128 : i32
      %mul3A_82 = arith.muli %add3A_80, %mul3A_81 : i32
      %dma_start3A_83 = arith.constant 0 : i32
      %dma_start3A_84 = tpu.memref_slice %arg6[%add3A_80, %dma_start3A_83] : memref<196x128xf32, #tpu.memory_space<vmem>> -> memref<1x128xf32, #tpu.memory_space<vmem>>
      %dma_start3A_85 = tpu.memref_squeeze %dma_start3A_84 : memref<1x128xf32, #tpu.memory_space<vmem>> -> memref<128xf32, #tpu.memory_space<vmem>>
      %dma_start3A_86 = tpu.memref_slice %arg5[%mul3A_82] : memref<25088xi32, #tpu.memory_space<vmem>> -> memref<128xi32, #tpu.memory_space<vmem>>
      %dma_start3A_87 = arith.constant 0 : i32
      %dma_start3A_88 = tpu.memref_slice %arg2[%dma_start3A_87] : memref<6400000xf32, #tpu.memory_space<hbm>> -> memref<6400000xf32, #tpu.memory_space<hbm>>
      tpu.enqueue_indirect_dma source(%dma_start3A_88 : memref<6400000xf32, #tpu.memory_space<hbm>>) target(%dma_start3A_85 : memref<128xf32, #tpu.memory_space<vmem>>) offsets(%dma_start3A_86 : memref<128xi32, #tpu.memory_space<vmem>>) semaphore(%arg7 : memref<!tpu.dma_semaphore, #tpu.memory_space<semaphore_mem>>)
      %mul3A_89 = arith.constant 14 : i32
      %mul3A_90 = arith.muli %scan3A_16, %mul3A_89 : i32
      %add3A_91 = arith.constant 6 : i32
      %add3A_92 = arith.addi %mul3A_90, %add3A_91 : i32
      %mul3A_93 = arith.constant 128 : i32
      %mul3A_94 = arith.muli %add3A_92, %mul3A_93 : i32
      %dma_start3A_95 = arith.constant 0 : i32
      %dma_start3A_96 = tpu.memref_slice %arg6[%add3A_92, %dma_start3A_95] : memref<196x128xf32, #tpu.memory_space<vmem>> -> memref<1x128xf32, #tpu.memory_space<vmem>>
      %dma_start3A_97 = tpu.memref_squeeze %dma_start3A_96 : memref<1x128xf32, #tpu.memory_space<vmem>> -> memref<128xf32, #tpu.memory_space<vmem>>
      %dma_start3A_98 = tpu.memref_slice %arg5[%mul3A_94] : memref<25088xi32, #tpu.memory_space<vmem>> -> memref<128xi32, #tpu.memory_space<vmem>>
      %dma_start3A_99 = arith.constant 0 : i32
      %dma_start3A_100 = tpu.memref_slice %arg2[%dma_start3A_99] : memref<6400000xf32, #tpu.memory_space<hbm>> -> memref<6400000xf32, #tpu.memory_space<hbm>>
      tpu.enqueue_indirect_dma source(%dma_start3A_100 : memref<6400000xf32, #tpu.memory_space<hbm>>) target(%dma_start3A_97 : memref<128xf32, #tpu.memory_space<vmem>>) offsets(%dma_start3A_98 : memref<128xi32, #tpu.memory_space<vmem>>) semaphore(%arg7 : memref<!tpu.dma_semaphore, #tpu.memory_space<semaphore_mem>>)
      %mul3A_101 = arith.constant 14 : i32
      %mul3A_102 = arith.muli %scan3A_16, %mul3A_101 : i32
      %add3A_103 = arith.constant 7 : i32
      %add3A_104 = arith.addi %mul3A_102, %add3A_103 : i32
      %mul3A_105 = arith.constant 128 : i32
      %mul3A_106 = arith.muli %add3A_104, %mul3A_105 : i32
      %dma_start3A_107 = arith.constant 0 : i32
      %dma_start3A_108 = tpu.memref_slice %arg6[%add3A_104, %dma_start3A_107] : memref<196x128xf32, #tpu.memory_space<vmem>> -> memref<1x128xf32, #tpu.memory_space<vmem>>
      %dma_start3A_109 = tpu.memref_squeeze %dma_start3A_108 : memref<1x128xf32, #tpu.memory_space<vmem>> -> memref<128xf32, #tpu.memory_space<vmem>>
      %dma_start3A_110 = tpu.memref_slice %arg5[%mul3A_106] : memref<25088xi32, #tpu.memory_space<vmem>> -> memref<128xi32, #tpu.memory_space<vmem>>
      %dma_start3A_111 = arith.constant 0 : i32
      %dma_start3A_112 = tpu.memref_slice %arg2[%dma_start3A_111] : memref<6400000xf32, #tpu.memory_space<hbm>> -> memref<6400000xf32, #tpu.memory_space<hbm>>
      tpu.enqueue_indirect_dma source(%dma_start3A_112 : memref<6400000xf32, #tpu.memory_space<hbm>>) target(%dma_start3A_109 : memref<128xf32, #tpu.memory_space<vmem>>) offsets(%dma_start3A_110 : memref<128xi32, #tpu.memory_space<vmem>>) semaphore(%arg7 : memref<!tpu.dma_semaphore, #tpu.memory_space<semaphore_mem>>)
      %mul3A_113 = arith.constant 14 : i32
      %mul3A_114 = arith.muli %scan3A_16, %mul3A_113 : i32
      %add3A_115 = arith.constant 8 : i32
      %add3A_116 = arith.addi %mul3A_114, %add3A_115 : i32
      %mul3A_117 = arith.constant 128 : i32
      %mul3A_118 = arith.muli %add3A_116, %mul3A_117 : i32
      %dma_start3A_119 = arith.constant 0 : i32
      %dma_start3A_120 = tpu.memref_slice %arg6[%add3A_116, %dma_start3A_119] : memref<196x128xf32, #tpu.memory_space<vmem>> -> memref<1x128xf32, #tpu.memory_space<vmem>>
      %dma_start3A_121 = tpu.memref_squeeze %dma_start3A_120 : memref<1x128xf32, #tpu.memory_space<vmem>> -> memref<128xf32, #tpu.memory_space<vmem>>
      %dma_start3A_122 = tpu.memref_slice %arg5[%mul3A_118] : memref<25088xi32, #tpu.memory_space<vmem>> -> memref<128xi32, #tpu.memory_space<vmem>>
      %dma_start3A_123 = arith.constant 0 : i32
      %dma_start3A_124 = tpu.memref_slice %arg2[%dma_start3A_123] : memref<6400000xf32, #tpu.memory_space<hbm>> -> memref<6400000xf32, #tpu.memory_space<hbm>>
      tpu.enqueue_indirect_dma source(%dma_start3A_124 : memref<6400000xf32, #tpu.memory_space<hbm>>) target(%dma_start3A_121 : memref<128xf32, #tpu.memory_space<vmem>>) offsets(%dma_start3A_122 : memref<128xi32, #tpu.memory_space<vmem>>) semaphore(%arg7 : memref<!tpu.dma_semaphore, #tpu.memory_space<semaphore_mem>>)
      %mul3A_125 = arith.constant 14 : i32
      %mul3A_126 = arith.muli %scan3A_16, %mul3A_125 : i32
      %add3A_127 = arith.constant 9 : i32
      %add3A_128 = arith.addi %mul3A_126, %add3A_127 : i32
      %mul3A_129 = arith.constant 128 : i32
      %mul3A_130 = arith.muli %add3A_128, %mul3A_129 : i32
      %dma_start3A_131 = arith.constant 0 : i32
      %dma_start3A_132 = tpu.memref_slice %arg6[%add3A_128, %dma_start3A_131] : memref<196x128xf32, #tpu.memory_space<vmem>> -> memref<1x128xf32, #tpu.memory_space<vmem>>
      %dma_start3A_133 = tpu.memref_squeeze %dma_start3A_132 : memref<1x128xf32, #tpu.memory_space<vmem>> -> memref<128xf32, #tpu.memory_space<vmem>>
      %dma_start3A_134 = tpu.memref_slice %arg5[%mul3A_130] : memref<25088xi32, #tpu.memory_space<vmem>> -> memref<128xi32, #tpu.memory_space<vmem>>
      %dma_start3A_135 = arith.constant 0 : i32
      %dma_start3A_136 = tpu.memref_slice %arg2[%dma_start3A_135] : memref<6400000xf32, #tpu.memory_space<hbm>> -> memref<6400000xf32, #tpu.memory_space<hbm>>
      tpu.enqueue_indirect_dma source(%dma_start3A_136 : memref<6400000xf32, #tpu.memory_space<hbm>>) target(%dma_start3A_133 : memref<128xf32, #tpu.memory_space<vmem>>) offsets(%dma_start3A_134 : memref<128xi32, #tpu.memory_space<vmem>>) semaphore(%arg7 : memref<!tpu.dma_semaphore, #tpu.memory_space<semaphore_mem>>)
      %mul3A_137 = arith.constant 14 : i32
      %mul3A_138 = arith.muli %scan3A_16, %mul3A_137 : i32
      %add3A_139 = arith.constant 10 : i32
      %add3A_140 = arith.addi %mul3A_138, %add3A_139 : i32
      %mul3A_141 = arith.constant 128 : i32
      %mul3A_142 = arith.muli %add3A_140, %mul3A_141 : i32
      %dma_start3A_143 = arith.constant 0 : i32
      %dma_start3A_144 = tpu.memref_slice %arg6[%add3A_140, %dma_start3A_143] : memref<196x128xf32, #tpu.memory_space<vmem>> -> memref<1x128xf32, #tpu.memory_space<vmem>>
      %dma_start3A_145 = tpu.memref_squeeze %dma_start3A_144 : memref<1x128xf32, #tpu.memory_space<vmem>> -> memref<128xf32, #tpu.memory_space<vmem>>
      %dma_start3A_146 = tpu.memref_slice %arg5[%mul3A_142] : memref<25088xi32, #tpu.memory_space<vmem>> -> memref<128xi32, #tpu.memory_space<vmem>>
      %dma_start3A_147 = arith.constant 0 : i32
      %dma_start3A_148 = tpu.memref_slice %arg2[%dma_start3A_147] : memref<6400000xf32, #tpu.memory_space<hbm>> -> memref<6400000xf32, #tpu.memory_space<hbm>>
      tpu.enqueue_indirect_dma source(%dma_start3A_148 : memref<6400000xf32, #tpu.memory_space<hbm>>) target(%dma_start3A_145 : memref<128xf32, #tpu.memory_space<vmem>>) offsets(%dma_start3A_146 : memref<128xi32, #tpu.memory_space<vmem>>) semaphore(%arg7 : memref<!tpu.dma_semaphore, #tpu.memory_space<semaphore_mem>>)
      %mul3A_149 = arith.constant 14 : i32
      %mul3A_150 = arith.muli %scan3A_16, %mul3A_149 : i32
      %add3A_151 = arith.constant 11 : i32
      %add3A_152 = arith.addi %mul3A_150, %add3A_151 : i32
      %mul3A_153 = arith.constant 128 : i32
      %mul3A_154 = arith.muli %add3A_152, %mul3A_153 : i32
      %dma_start3A_155 = arith.constant 0 : i32
      %dma_start3A_156 = tpu.memref_slice %arg6[%add3A_152, %dma_start3A_155] : memref<196x128xf32, #tpu.memory_space<vmem>> -> memref<1x128xf32, #tpu.memory_space<vmem>>
      %dma_start3A_157 = tpu.memref_squeeze %dma_start3A_156 : memref<1x128xf32, #tpu.memory_space<vmem>> -> memref<128xf32, #tpu.memory_space<vmem>>
      %dma_start3A_158 = tpu.memref_slice %arg5[%mul3A_154] : memref<25088xi32, #tpu.memory_space<vmem>> -> memref<128xi32, #tpu.memory_space<vmem>>
      %dma_start3A_159 = arith.constant 0 : i32
      %dma_start3A_160 = tpu.memref_slice %arg2[%dma_start3A_159] : memref<6400000xf32, #tpu.memory_space<hbm>> -> memref<6400000xf32, #tpu.memory_space<hbm>>
      tpu.enqueue_indirect_dma source(%dma_start3A_160 : memref<6400000xf32, #tpu.memory_space<hbm>>) target(%dma_start3A_157 : memref<128xf32, #tpu.memory_space<vmem>>) offsets(%dma_start3A_158 : memref<128xi32, #tpu.memory_space<vmem>>) semaphore(%arg7 : memref<!tpu.dma_semaphore, #tpu.memory_space<semaphore_mem>>)
      %mul3A_161 = arith.constant 14 : i32
      %mul3A_162 = arith.muli %scan3A_16, %mul3A_161 : i32
      %add3A_163 = arith.constant 12 : i32
      %add3A_164 = arith.addi %mul3A_162, %add3A_163 : i32
      %mul3A_165 = arith.constant 128 : i32
      %mul3A_166 = arith.muli %add3A_164, %mul3A_165 : i32
      %dma_start3A_167 = arith.constant 0 : i32
      %dma_start3A_168 = tpu.memref_slice %arg6[%add3A_164, %dma_start3A_167] : memref<196x128xf32, #tpu.memory_space<vmem>> -> memref<1x128xf32, #tpu.memory_space<vmem>>
      %dma_start3A_169 = tpu.memref_squeeze %dma_start3A_168 : memref<1x128xf32, #tpu.memory_space<vmem>> -> memref<128xf32, #tpu.memory_space<vmem>>
      %dma_start3A_170 = tpu.memref_slice %arg5[%mul3A_166] : memref<25088xi32, #tpu.memory_space<vmem>> -> memref<128xi32, #tpu.memory_space<vmem>>
      %dma_start3A_171 = arith.constant 0 : i32
      %dma_start3A_172 = tpu.memref_slice %arg2[%dma_start3A_171] : memref<6400000xf32, #tpu.memory_space<hbm>> -> memref<6400000xf32, #tpu.memory_space<hbm>>
      tpu.enqueue_indirect_dma source(%dma_start3A_172 : memref<6400000xf32, #tpu.memory_space<hbm>>) target(%dma_start3A_169 : memref<128xf32, #tpu.memory_space<vmem>>) offsets(%dma_start3A_170 : memref<128xi32, #tpu.memory_space<vmem>>) semaphore(%arg7 : memref<!tpu.dma_semaphore, #tpu.memory_space<semaphore_mem>>)
      %mul3A_173 = arith.constant 14 : i32
      %mul3A_174 = arith.muli %scan3A_16, %mul3A_173 : i32
      %add3A_175 = arith.constant 13 : i32
      %add3A_176 = arith.addi %mul3A_174, %add3A_175 : i32
      %mul3A_177 = arith.constant 128 : i32
      %mul3A_178 = arith.muli %add3A_176, %mul3A_177 : i32
      %dma_start3A_179 = arith.constant 0 : i32
      %dma_start3A_180 = tpu.memref_slice %arg6[%add3A_176, %dma_start3A_179] : memref<196x128xf32, #tpu.memory_space<vmem>> -> memref<1x128xf32, #tpu.memory_space<vmem>>
      %dma_start3A_181 = tpu.memref_squeeze %dma_start3A_180 : memref<1x128xf32, #tpu.memory_space<vmem>> -> memref<128xf32, #tpu.memory_space<vmem>>
      %dma_start3A_182 = tpu.memref_slice %arg5[%mul3A_178] : memref<25088xi32, #tpu.memory_space<vmem>> -> memref<128xi32, #tpu.memory_space<vmem>>
      %dma_start3A_183 = arith.constant 0 : i32
      %dma_start3A_184 = tpu.memref_slice %arg2[%dma_start3A_183] : memref<6400000xf32, #tpu.memory_space<hbm>> -> memref<6400000xf32, #tpu.memory_space<hbm>>
      tpu.enqueue_indirect_dma source(%dma_start3A_184 : memref<6400000xf32, #tpu.memory_space<hbm>>) target(%dma_start3A_181 : memref<128xf32, #tpu.memory_space<vmem>>) offsets(%dma_start3A_182 : memref<128xi32, #tpu.memory_space<vmem>>) semaphore(%arg7 : memref<!tpu.dma_semaphore, #tpu.memory_space<semaphore_mem>>)
      %scan3A_185 = arith.constant 0 : i32
      scf.yield %scan3A_185 : i32
    }
    %scan3A_8 = arith.constant 14 : i32
    %dma_wait3A = arith.constant 0 : i32
    %dma_wait3A_9 = arith.constant 0 : i32
    %dma_wait3A_10 = tpu.memref_slice %arg4[%add3A, %dma_wait3A, %dma_wait3A_9] : memref<32x196x128xf32, #tpu.memory_space<hbm>> -> memref<1x196x128xf32, #tpu.memory_space<hbm>>
    %dma_wait3A_11 = tpu.memref_squeeze %dma_wait3A_10 : memref<1x196x128xf32, #tpu.memory_space<hbm>> -> memref<196x128xf32, #tpu.memory_space<hbm>>
    %dma_wait3A_12 = arith.constant 0 : i32
    %dma_wait3A_13 = arith.constant 0 : i32
    %dma_wait3A_14 = tpu.memref_slice %arg4[%add3A, %dma_wait3A_12, %dma_wait3A_13] : memref<32x196x128xf32, #tpu.memory_space<hbm>> -> memref<1x196x128xf32, #tpu.memory_space<hbm>>
    %dma_wait3A_15 = tpu.memref_squeeze %dma_wait3A_14 : memref<1x196x128xf32, #tpu.memory_space<hbm>> -> memref<196x128xf32, #tpu.memory_space<hbm>>
    tpu.wait_dma2 semaphore(%arg7 : memref<!tpu.dma_semaphore, #tpu.memory_space<semaphore_mem>>) src(%dma_wait3A_15 : memref<196x128xf32, #tpu.memory_space<hbm>>) dst(%arg6 : memref<196x128xf32, #tpu.memory_space<vmem>>)
    "tpu.region"() ({
      %run_scoped3A = tpu.sem_alloc : memref<!tpu.dma_semaphore, #tpu.memory_space<semaphore_mem>>
      %dma_start3A = arith.constant 0 : i32
      %dma_start3A_16 = arith.constant 0 : i32
      %dma_start3A_17 = tpu.memref_slice %arg4[%add3A, %dma_start3A, %dma_start3A_16] : memref<32x196x128xf32, #tpu.memory_space<hbm>> -> memref<1x196x128xf32, #tpu.memory_space<hbm>>
      %dma_start3A_18 = tpu.memref_squeeze %dma_start3A_17 : memref<1x196x128xf32, #tpu.memory_space<hbm>> -> memref<196x128xf32, #tpu.memory_space<hbm>>
      %dma_start3A_19 = arith.constant 0 : i32
      %dma_start3A_20 = arith.constant 0 : i32
      %dma_start3A_21 = tpu.memref_slice %arg4[%add3A, %dma_start3A_19, %dma_start3A_20] : memref<32x196x128xf32, #tpu.memory_space<hbm>> -> memref<1x196x128xf32, #tpu.memory_space<hbm>>
      %dma_start3A_22 = tpu.memref_squeeze %dma_start3A_21 : memref<1x196x128xf32, #tpu.memory_space<hbm>> -> memref<196x128xf32, #tpu.memory_space<hbm>>
      tpu.enqueue_dma source(%arg6 : memref<196x128xf32, #tpu.memory_space<vmem>>) target(%dma_start3A_22 : memref<196x128xf32, #tpu.memory_space<hbm>>) target_semaphore(%run_scoped3A : memref<!tpu.dma_semaphore, #tpu.memory_space<semaphore_mem>>)
      %dma_wait3A_23 = arith.constant 0 : i32
      %dma_wait3A_24 = arith.constant 0 : i32
      %dma_wait3A_25 = tpu.memref_slice %arg4[%add3A, %dma_wait3A_23, %dma_wait3A_24] : memref<32x196x128xf32, #tpu.memory_space<hbm>> -> memref<1x196x128xf32, #tpu.memory_space<hbm>>
      %dma_wait3A_26 = tpu.memref_squeeze %dma_wait3A_25 : memref<1x196x128xf32, #tpu.memory_space<hbm>> -> memref<196x128xf32, #tpu.memory_space<hbm>>
      %dma_wait3A_27 = arith.constant 0 : i32
      %dma_wait3A_28 = arith.constant 0 : i32
      %dma_wait3A_29 = tpu.memref_slice %arg4[%add3A, %dma_wait3A_27, %dma_wait3A_28] : memref<32x196x128xf32, #tpu.memory_space<hbm>> -> memref<1x196x128xf32, #tpu.memory_space<hbm>>
      %dma_wait3A_30 = tpu.memref_squeeze %dma_wait3A_29 : memref<1x196x128xf32, #tpu.memory_space<hbm>> -> memref<196x128xf32, #tpu.memory_space<hbm>>
      tpu.wait_dma2 semaphore(%run_scoped3A : memref<!tpu.dma_semaphore, #tpu.memory_space<semaphore_mem>>) src(%arg6 : memref<196x128xf32, #tpu.memory_space<vmem>>) dst(%dma_wait3A_30 : memref<196x128xf32, #tpu.memory_space<hbm>>)
      tpu.yield
    }) : () -> ()
    return
  }
}

module attributes {stable_mosaic.version = 14 : i64} {
  func.func @_idx_body(%arg0: i32, %arg1: memref<1x392x128xi32, #tpu.memory_space<vmem>>, %arg2: memref<1x392x128xi32, #tpu.memory_space<vmem>>, %arg3: memref<392x128xi32, #tpu.memory_space<vmem>>) attributes {dimension_semantics = [#tpu.dimension_semantics<arbitrary>], iteration_bounds = array<i64: 16>, scalar_prefetch = 0 : i64, scratch_operands = 0 : i64, tpu.core_type = #tpu.core_type<tc>, window_params = [{transform_indices = @transform_0, window_bounds = array<i64: 1, 392, 128>}, {transform_indices = @transform_1, window_bounds = array<i64: 1, 392, 128>}, {transform_indices = @transform_2, window_bounds = array<i64: 392, 128>}]} {
    %iota3A = tpu.iota {dimensions = array<i32: 0>} : vector<392x128xi32>
    %mul3A = arith.constant 392 : i32
    %mul3A_0 = arith.muli %arg0, %mul3A : i32
    %add3A = vector.broadcast %mul3A_0 : i32 to vector<392x128xi32>
    %add3A_1 = arith.addi %iota3A, %add3A : vector<392x128xi32>
    %get3A = arith.constant 0 : index
    %get3A_2 = arith.constant 0 : index
    %get3A_3 = arith.constant 0 : index
    %get3A_4 = vector.load %arg1[%get3A, %get3A_2, %get3A_3] : memref<1x392x128xi32, #tpu.memory_space<vmem>>, vector<1x392x128xi32>
    %get3A_5 = vector.shape_cast %get3A_4 : vector<1x392x128xi32> to vector<392x128xi32>
    %mul3A_6 = arith.constant 128 : i32
    %mul3A_7 = vector.broadcast %mul3A_6 : i32 to vector<392x128xi32>
    %mul3A_8 = arith.muli %get3A_5, %mul3A_7 : vector<392x128xi32>
    %get3A_9 = arith.constant 0 : index
    %get3A_10 = arith.constant 0 : index
    %get3A_11 = arith.constant 0 : index
    %get3A_12 = vector.load %arg2[%get3A_9, %get3A_10, %get3A_11] : memref<1x392x128xi32, #tpu.memory_space<vmem>>, vector<1x392x128xi32>
    %get3A_13 = vector.shape_cast %get3A_12 : vector<1x392x128xi32> to vector<392x128xi32>
    %add3A_14 = arith.addi %mul3A_8, %get3A_13 : vector<392x128xi32>
    %sub3A = arith.constant 50000 : i32
    %sub3A_15 = vector.broadcast %sub3A : i32 to vector<392x128xi32>
    %sub3A_16 = arith.subi %add3A_14, %sub3A_15 : vector<392x128xi32>
    %lt3A = arith.constant 6250 : i32
    %lt3A_17 = vector.broadcast %lt3A : i32 to vector<392x128xi32>
    %lt3A_18 = arith.cmpi slt, %add3A_1, %lt3A_17 : vector<392x128xi32>
    %jit3A = arith.constant 0 : i32
    %broadcast_in_dim3A = vector.broadcast %jit3A : i32 to vector<392x128xi32>
    %select_n3A = arith.select %lt3A_18, %sub3A_16, %broadcast_in_dim3A : vector<392x128xi1>, vector<392x128xi32>
    %swap3A = arith.constant 0 : index
    %swap3A_19 = arith.constant 0 : index
    %swap3A_20 = vector.load %arg3[%swap3A, %swap3A_19] : memref<392x128xi32, #tpu.memory_space<vmem>>, vector<392x128xi32>
    tpu.vector_store %arg3[%swap3A, %swap3A_19], %select_n3A {strides = array<i32>} : memref<392x128xi32, #tpu.memory_space<vmem>>, vector<392x128xi32>,
    return
  }
  func.func @transform_0(%arg0: i32) -> (i32, i32, i32) {
    %c0_i32 = arith.constant 0 : i32
    %c0_i32_0 = arith.constant 0 : i32
    %c0_i32_1 = arith.constant 0 : i32
    return %c0_i32, %arg0, %c0_i32_0 : i32, i32, i32
  }
  func.func @transform_1(%arg0: i32) -> (i32, i32, i32) {
    %c1_i32 = arith.constant 1 : i32
    %c0_i32 = arith.constant 0 : i32
    %c0_i32_0 = arith.constant 0 : i32
    return %c1_i32, %arg0, %c0_i32 : i32, i32, i32
  }
  func.func @transform_2(%arg0: i32) -> (i32, i32) {
    %c0_i32 = arith.constant 0 : i32
    %c0_i32_0 = arith.constant 0 : i32
    return %arg0, %c0_i32 : i32, i32
  }
}

module attributes {stable_mosaic.version = 14 : i64} {
  func.func @_score_body(%arg0: i32, %arg1: memref<2000x128xf32, #tpu.memory_space<vmem>>, %arg2: memref<64x256xf32, #tpu.memory_space<vmem>>, %arg3: memref<128x64xf32, #tpu.memory_space<vmem>>, %arg4: memref<1x64xf32, #tpu.memory_space<vmem>>, %arg5: memref<256x64xf32, #tpu.memory_space<vmem>>, %arg6: memref<1x64xf32, #tpu.memory_space<vmem>>, %arg7: memref<2000x128xf32, #tpu.memory_space<vmem>>) attributes {dimension_semantics = [#tpu.dimension_semantics<arbitrary>], iteration_bounds = array<i64: 25>, scalar_prefetch = 0 : i64, scratch_operands = 0 : i64, tpu.core_type = #tpu.core_type<tc>, window_params = [{transform_indices = @transform_0, window_bounds = array<i64: 2000, 128>}, {pipeline_mode = #tpu.pipeline_mode<synchronous>, transform_indices = @transform_1, window_bounds = array<i64: 64, 256>}, {pipeline_mode = #tpu.pipeline_mode<synchronous>, transform_indices = @transform_2, window_bounds = array<i64: 128, 64>}, {pipeline_mode = #tpu.pipeline_mode<synchronous>, transform_indices = @transform_3, window_bounds = array<i64: 1, 64>}, {pipeline_mode = #tpu.pipeline_mode<synchronous>, transform_indices = @transform_4, window_bounds = array<i64: 256, 64>}, {pipeline_mode = #tpu.pipeline_mode<synchronous>, transform_indices = @transform_5, window_bounds = array<i64: 1, 64>}, {transform_indices = @transform_6, window_bounds = array<i64: 2000, 128>}]} {
    %get3A = arith.constant 0 : index
    %get3A_0 = arith.constant 0 : index
    %get3A_1 = vector.load %arg1[%get3A, %get3A_0] : memref<2000x128xf32, #tpu.memory_space<vmem>>, vector<2000x128xf32>
    %get3A_2 = arith.constant 0 : index
    %get3A_3 = arith.constant 0 : index
    %get3A_4 = vector.load %arg3[%get3A_2, %get3A_3] : memref<128x64xf32, #tpu.memory_space<vmem>>, vector<128x64xf32>
    %dot_general3A = arith.constant dense<0.000000e+00> : vector<2000x64xf32>
    %dot_general3A_5 = tpu.matmul %get3A_1, %get3A_4, %dot_general3A {dimension_numbers = #tpu.dot_dimension_numbers<[1], [0], [0], [1], [0, 0, 1, 1], [], []>, transpose_lhs_hint = false} : vector<2000x128xf32>, vector<128x64xf32>, vector<2000x64xf32> -> vector<2000x64xf32>
    %get3A_6 = arith.constant 0 : index
    %get3A_7 = arith.constant 0 : index
    %get3A_8 = vector.load %arg4[%get3A_6, %get3A_7] : memref<1x64xf32, #tpu.memory_space<vmem>>, vector<1x64xf32>
    %add3A = vector.broadcast %get3A_8 : vector<1x64xf32> to vector<2000x64xf32>
    %add3A_9 = arith.addf %dot_general3A_5, %add3A : vector<2000x64xf32>
    %mul3A = arith.mulf %add3A_9, %add3A_9 : vector<2000x64xf32>
    %reduce_sum3A = arith.constant dense<0.000000e+00> : vector<2000xf32>
    %reduce_sum3A_10 = vector.multi_reduction <add>, %mul3A, %reduce_sum3A [1] : vector<2000x64xf32> to vector<2000xf32>
    %broadcast_in_dim3A = vector.shape_cast %reduce_sum3A_10 : vector<2000xf32> to vector<2000x1xf32>
    %sqrt3A = math.sqrt %broadcast_in_dim3A : vector<2000x1xf32>
    %max3A = arith.constant 9.99999996E-13 : f32
    %max3A_11 = vector.broadcast %max3A : f32 to vector<2000x1xf32>
    %max3A_12 = arith.maximumf %sqrt3A, %max3A_11 : vector<2000x1xf32>
    %div3A = vector.broadcast %max3A_12 : vector<2000x1xf32> to vector<2000x64xf32>
    %div3A_13 = arith.divf %add3A_9, %div3A : vector<2000x64xf32>
    %get3A_14 = arith.constant 0 : index
    %get3A_15 = arith.constant 0 : index
    %get3A_16 = vector.load %arg2[%get3A_14, %get3A_15] : memref<64x256xf32, #tpu.memory_space<vmem>>, vector<64x256xf32>
    %get3A_17 = arith.constant 0 : index
    %get3A_18 = arith.constant 0 : index
    %get3A_19 = vector.load %arg5[%get3A_17, %get3A_18] : memref<256x64xf32, #tpu.memory_space<vmem>>, vector<256x64xf32>
    %dot_general3A_20 = arith.constant dense<0.000000e+00> : vector<64x64xf32>
    %dot_general3A_21 = tpu.matmul %get3A_16, %get3A_19, %dot_general3A_20 {dimension_numbers = #tpu.dot_dimension_numbers<[1], [0], [0], [1], [0, 0, 1, 1], [], []>, transpose_lhs_hint = false} : vector<64x256xf32>, vector<256x64xf32>, vector<64x64xf32> -> vector<64x64xf32>
    %get3A_22 = arith.constant 0 : index
    %get3A_23 = arith.constant 0 : index
    %get3A_24 = vector.load %arg6[%get3A_22, %get3A_23] : memref<1x64xf32, #tpu.memory_space<vmem>>, vector<1x64xf32>
    %add3A_25 = vector.broadcast %get3A_24 : vector<1x64xf32> to vector<64x64xf32>
    %add3A_26 = arith.addf %dot_general3A_21, %add3A_25 : vector<64x64xf32>
    %mul3A_27 = arith.mulf %add3A_26, %add3A_26 : vector<64x64xf32>
    %reduce_sum3A_28 = arith.constant dense<0.000000e+00> : vector<64xf32>
    %reduce_sum3A_29 = vector.multi_reduction <add>, %mul3A_27, %reduce_sum3A_28 [1] : vector<64x64xf32> to vector<64xf32>
    %broadcast_in_dim3A_30 = vector.shape_cast %reduce_sum3A_29 : vector<64xf32> to vector<64x1xf32>
    %sqrt3A_31 = math.sqrt %broadcast_in_dim3A_30 : vector<64x1xf32>
    %max3A_32 = arith.constant 9.99999996E-13 : f32
    %max3A_33 = vector.broadcast %max3A_32 : f32 to vector<64x1xf32>
    %max3A_34 = arith.maximumf %sqrt3A_31, %max3A_33 : vector<64x1xf32>
    %div3A_35 = vector.broadcast %max3A_34 : vector<64x1xf32> to vector<64x64xf32>
    %div3A_36 = arith.divf %add3A_26, %div3A_35 : vector<64x64xf32>
    %transpose3A = tpu.transpose %div3A_36, [1, 0] : vector<64x64xf32> -> vector<64x64xf32>
    %broadcast_in_dim3A_37 = arith.constant 0.000000e+00 : f32
    %broadcast_in_dim3A_38 = vector.broadcast %broadcast_in_dim3A_37 : f32 to vector<64x64xf32>
    %concatenate3A = tpu.concatenate %transpose3A, %broadcast_in_dim3A_38 in 1 : vector<64x64xf32>, vector<64x64xf32> -> vector<64x128xf32>
    %dot_general3A_39 = arith.constant dense<0.000000e+00> : vector<2000x128xf32>
    %dot_general3A_40 = tpu.matmul %div3A_13, %concatenate3A, %dot_general3A_39 {dimension_numbers = #tpu.dot_dimension_numbers<[1], [0], [0], [1], [0, 0, 1, 1], [], []>, transpose_lhs_hint = false} : vector<2000x64xf32>, vector<64x128xf32>, vector<2000x128xf32> -> vector<2000x128xf32>
    %logistic3A = arith.negf %dot_general3A_40 : vector<2000x128xf32>
    %logistic3A_41 = math.exp %logistic3A : vector<2000x128xf32>
    %logistic3A_42 = arith.constant 1.000000e+00 : f32
    %logistic3A_43 = vector.broadcast %logistic3A_42 : f32 to vector<2000x128xf32>
    %logistic3A_44 = arith.addf %logistic3A_43, %logistic3A_41 : vector<2000x128xf32>
    %logistic3A_45 = arith.divf %logistic3A_43, %logistic3A_44 : vector<2000x128xf32>
    %swap3A = arith.constant 0 : index
    %swap3A_46 = arith.constant 0 : index
    %swap3A_47 = vector.load %arg7[%swap3A, %swap3A_46] : memref<2000x128xf32, #tpu.memory_space<vmem>>, vector<2000x128xf32>
    tpu.vector_store %arg7[%swap3A, %swap3A_46], %logistic3A_45 {strides = array<i32>} : memref<2000x128xf32, #tpu.memory_space<vmem>>, vector<2000x128xf32>,
    return
  }
  func.func @transform_0(%arg0: i32) -> (i32, i32) {
    %c0_i32 = arith.constant 0 : i32
    %c0_i32_0 = arith.constant 0 : i32
    return %arg0, %c0_i32 : i32, i32
  }
  func.func @transform_1(%arg0: i32) -> (i32, i32) {
    %c0_i32 = arith.constant 0 : i32
    %c0_i32_0 = arith.constant 0 : i32
    %c0_i32_1 = arith.constant 0 : i32
    return %c0_i32, %c0_i32_0 : i32, i32
  }
  func.func @transform_2(%arg0: i32) -> (i32, i32) {
    %c0_i32 = arith.constant 0 : i32
    %c0_i32_0 = arith.constant 0 : i32
    %c0_i32_1 = arith.constant 0 : i32
    return %c0_i32, %c0_i32_0 : i32, i32
  }
  func.func @transform_3(%arg0: i32) -> (i32, i32) {
    %c0_i32 = arith.constant 0 : i32
    %c0_i32_0 = arith.constant 0 : i32
    %c0_i32_1 = arith.constant 0 : i32
    return %c0_i32, %c0_i32_0 : i32, i32
  }
  func.func @transform_4(%arg0: i32) -> (i32, i32) {
    %c0_i32 = arith.constant 0 : i32
    %c0_i32_0 = arith.constant 0 : i32
    %c0_i32_1 = arith.constant 0 : i32
    return %c0_i32, %c0_i32_0 : i32, i32
  }
  func.func @transform_5(%arg0: i32) -> (i32, i32) {
    %c0_i32 = arith.constant 0 : i32
    %c0_i32_0 = arith.constant 0 : i32
    %c0_i32_1 = arith.constant 0 : i32
    return %c0_i32, %c0_i32_0 : i32, i32
  }
  func.func @transform_6(%arg0: i32) -> (i32, i32) {
    %c0_i32 = arith.constant 0 : i32
    %c0_i32_0 = arith.constant 0 : i32
    return %arg0, %c0_i32 : i32, i32
  }
}

</mosaic_0001>

<sc_bundles>
// kernel: kernel.5.cloned.1.call-start
scs
__scs_entry_jumppad:
0x0: {  	(pc) =	sbr.rel $0x88, $3  }
0x1: {  	(tag) =	ssettag $0x0;
	lr =	simm.s32 $0x1  }
0x2: {  	[smem:$0x3F9A] =	sst lr;
	_ =	strace $0xD0000000  }
0x3: {  	_ = 	snop  }
0x4: {  	_ = 	snop  }
0x5: {  	_ = 	snop  }
0x6: {  	_ = 	snop  }
0x7: {  	_ = 	snop  }
__scs_overlays_trampoline_lowered:
0x8: {  	[smem:$0x3FA9] =	sst s0  }
0x9: {  	[smem:$0x3FAA] =	sst s1  }
0xa: {  	[smem:$0x3FAB] =	sst s2  }
0xb: {  	[smem:$0x3FAC] =	sst s3  }
0xc: {  	[smem:$0x3FAD] =	sst s4  }
0xd: {  	[smem:$0x3FAE] =	sst s5  }
0xe: {  	[smem:$0x3FAF] =	sst s6  }
0xf: {  	[smem:$0x3FB0] =	sst s7  }
0x10: {  	[smem:$0x3FB1] =	sst s8  }
0x11: {  	[smem:$0x3FB2] =	sst s9;
	s0 =	simm.s32 @!p0 $0x0  }
0x12: {  	s1 =	sld [smem:$0x3F98];
	s0 =	simm.s32 @p0 $0x1  }
0x13: {  	[smem:$0x3FB3] =	sst s0;
	s0 =	simm.s32 @!p1 $0x0  }
0x14: {  	s2 =	sld [smem:$0x3F97];
	s0 =	simm.s32 @p1 $0x1  }
0x15: {  	[smem:$0x3FB4] =	sst s0;
	s0 =	simm.s32 @!p2 $0x0  }
0x16: {  	s3 =	sld [smem:$0x3FDB];
	s0 =	simm.s32 @p2 $0x1  }
0x17: {  	s4 =	simm.s32 $0x1BF5;
	[smem:$0x3FB6] =	sst s0  }
0x18: {  	s0 =	sld [smem:$0x3F99];
	_ =	swait.ge [sflag:s4], $0x0  }
0x19: {  	s7 =	sld [smem:$0x3F9A]  }
0x1a: {  	s8 =	sadd.s32 $0xFFFFE003, lr  }
0x1b: {  	s9 =	sadd.s32 $0xFFFFFEF7, lr;
	s5 =	simm.s32 $0xFFFFFFFF;
	p2 =	slt.u32 s8, $0xFFFFF086  }
0x1c: {  	p1 =	slt.u32 s9, $0xF7A;
	s5 =	simm.s32 @!p2 $0x0  }
0x1d: {  	s5 =	simm.s32 @p1 $0x1;
	p0 =	seq.s32 s7, s2  }
0x1e: {  	s7 =	smul.u32 @!p0 $0xF7A, s2;
	p2 =	seq.s32 @!p0 s5, $0x0  }
0x1f: {  	s9 =	smul.u32 $0xF7A, s1;
	s8 =	simm.s32 @!p0 $0x1BF5;
	p2 =	por !p2, p0  }
0x20: {  	[sflag:s8] =	ssyncset.s32 @!p0 $0xFFFFF086;
	s6 =	sadd.s32 @!p0 s3, s7;
	s7 =	simm.s32 @!p0 $0x108  }
0x21: {  	s3 =	sadd.s32 s3, s9;
	s6 =	sadd.s32 @!p0 $0x88, s6;
	s7 =	simm.s32 @p2 $0x1082  }
0x22: {  	[simem:s7], [sflag:s8] =	dma.local @!p0 [hbm:s6], $0xF7A  }
0x23: {  	s9 =	sor.u32 $0xD0000000, s2;
	s6 =	simm.s32 $0x108;
	_ =	swait.ge @!p0 [sflag:s8], $0x0  }
0x24: {  	s3 =	sadd.s32 $0x88, s3;
	s6 =	simm.s32 @!p1 $0x1082;
	[sflag:s4] =	ssyncset.s32 $0xFFFFF086  }
0x25: {  	[simem:s6], [sflag:s4] =	dma.local [hbm:s3], $0xF7A  }
0x26: {  	[smem:$0x3F9A] =	sst s1;
	(tag) =	ssettag s2;
	_ =	strace s9  }
0x27: {  	s1 =	sld [smem:$0x3FAA]  }
0x28: {  	s2 =	sld [smem:$0x3FAB]  }
0x29: {  	s4 =	sld [smem:$0x3FAD]  }
0x2a: {  	p0 =	seq.s32 s5, $0x0;
	s5 =	sld [smem:$0x3FAE]  }
0x2b: {  	s6 =	sld [smem:$0x3FAF]  }
0x2c: {  	s7 =	sld [smem:$0x3FB0]  }
0x2d: {  	s3 =	simm.s32 $0x108;
	s8 =	sld [smem:$0x3FB1]  }
0x2e: {  	s3 =	simm.s32 @!p0 $0x1082;
	s9 =	sld [smem:$0x3FB2]  }
0x2f: {  	lr =	sadd.s32 s0, s3;
	s0 =	sld [smem:$0x3FA9]  }
0x30: {  	s3 =	sld [smem:$0x3FAC]  }
0x31: {  	[smem:$0x3FB5] =	sst s10  }
0x32: {  	s10 =	sld [smem:$0x3FB3];
	_ =	sdelay $0x3  }
0x33: {  	p0 =	seq.s32 s10, $0x1;
	s10 =	sld [smem:$0x3FB5];
	_ =	sdelay $0x3  }
0x34: {  	[smem:$0x3FB5] =	sst s10  }
0x35: {  	s10 =	sld [smem:$0x3FB4];
	_ =	sdelay $0x3  }
0x36: {  	p1 =	seq.s32 s10, $0x1;
	s10 =	sld [smem:$0x3FB5];
	_ =	sdelay $0x3  }
0x37: {  	[smem:$0x3FB5] =	sst s10  }
0x38: {  	s10 =	sld [smem:$0x3FB6]  }
0x39: {  	_ = 	snop;
	(pc) =	sbr.ind lr, $3  }
0x3a: {  	_ = 	snop  }
0x3b: {  	_ = 	snop  }
0x3c: {  	p2 =	seq.s32 s10, $0x1;
	s10 =	sld [smem:$0x3FB5]  }
0x3d: {  	_ =	shalt  }
0x3e: {  	_ =	shalt  }
0x3f: {  	_ =	shalt  }
0x40: {  	_ =	shalt  }
0x41: {  	_ =	shalt  }
0x42: {  	_ =	shalt  }
0x43: {  	_ =	shalt  }
0x44: {  	_ =	shalt  }
0x45: {  	_ =	shalt  }
0x46: {  	_ =	shalt  }
0x47: {  	_ =	shalt  }
0x48: {  	_ =	shalt  }
0x49: {  	_ =	shalt  }
0x4a: {  	_ =	shalt  }
0x4b: {  	_ =	shalt  }
0x4c: {  	_ =	shalt  }
0x4d: {  	_ =	shalt  }
0x4e: {  	_ =	shalt  }
0x4f: {  	_ =	shalt  }
0x50: {  	_ =	shalt  }
0x51: {  	_ =	shalt  }
0x52: {  	_ =	shalt  }
0x53: {  	_ =	shalt  }
0x54: {  	_ =	shalt  }
0x55: {  	_ =	shalt  }
0x56: {  	_ =	shalt  }
0x57: {  	_ =	shalt  }
0x58: {  	_ =	shalt  }
0x59: {  	_ =	shalt  }
0x5a: {  	_ =	shalt  }
0x5b: {  	_ =	shalt  }
0x5c: {  	_ =	shalt  }
0x5d: {  	_ =	shalt  }
0x5e: {  	_ =	shalt  }
0x5f: {  	_ =	shalt  }
0x60: {  	_ =	shalt  }
0x61: {  	_ =	shalt  }
0x62: {  	_ =	shalt  }
0x63: {  	_ =	shalt  }
0x64: {  	_ =	shalt  }
0x65: {  	_ =	shalt  }
0x66: {  	_ =	shalt  }
0x67: {  	_ =	shalt  }
0x68: {  	_ =	shalt  }
0x69: {  	_ =	shalt  }
0x6a: {  	_ =	shalt  }
0x6b: {  	_ =	shalt  }
0x6c: {  	_ =	shalt  }
0x6d: {  	_ =	shalt  }
0x6e: {  	_ =	shalt  }
0x6f: {  	_ =	shalt  }
0x70: {  	_ =	shalt  }
0x71: {  	_ =	shalt  }
0x72: {  	_ =	shalt  }
0x73: {  	_ =	shalt  }
0x74: {  	_ =	shalt  }
0x75: {  	_ =	shalt  }
0x76: {  	_ =	shalt  }
0x77: {  	_ =	shalt  }
0x78: {  	_ =	shalt  }
0x79: {  	_ =	shalt  }
0x7a: {  	_ =	shalt  }
0x7b: {  	_ =	shalt  }
0x7c: {  	_ =	shalt  }
0x7d: {  	_ =	shalt  }
0x7e: {  	_ =	shalt  }
0x7f: {  	_ =	shalt  }
0x80: {  	_ =	shalt  }
0x81: {  	_ =	shalt  }
0x82: {  	_ =	shalt  }
0x83: {  	_ =	shalt  }
0x84: {  	_ =	shalt  }
0x85: {  	_ =	shalt  }
0x86: {  	_ =	shalt  }
0x87: {  	_ =	shalt  }
.Lfunc_end0:
.L_simem_size_0:
called_computation_lowered:
.L_overlay_start_0:
0x88: {  	s2 =	sld [smem:$0x3FD9]  }
0x89: {  	s3 =	sld [smem:$0x3FFE];
	_ =	sdelay $0x1  }
0x8a: {  	s1 =	srdreg.scid  }
0x8b: {  	s0 =	sand.u32 $0x1, s1  }
0x8c: {  	s16 =	sshll.u32 s0, $0xA;
	s2 =	sadd.s32 s3, s2  }
0x8d: {  	s2 =	sadd.s32 s2, s16  }
0x8e: {  	[smem:$0x3FC1] =	sst s2  }
0x8f: {  	_ = 	snop  }
0x90: {  	(tm) =	ssettm $0x1  }
0x91: {  	s17 =	sld [smem:$0x3FFB];
	_ =	sdelay $0x3  }
0x92: {  	_ =	strace s17  }
0x93: {  	s2 =	sld [smem:$0x3FFC];
	_ =	sdelay $0x3  }
0x94: {  	_ =	strace s2  }
0x95: {  	s2 =	sld [smem:$0x3FFD];
	_ =	sdelay $0x3  }
0x96: {  	_ =	strace s2  }
0x97: {  	_ =	strace $0x8FFFFFFF  }
0x98: {  	s18 =	sld [smem:$0x3FDB];
	_ =	sdelay $0x1  }
0x99: {  	s19 =	simm.s32 $_scs_section_size  }
0x9a: {  	s4 =	simm.s32 $_size__tile_overlayer_lowered;
	s5 =	simm.s32 $_tile_overlayer_lowered  }
0x9b: {  	s22 =	simm.s32 $0x1BFF;
	s21 =	sshll.u32 s5, $0x1;
	s2 =	sadd.s32 s19, s18  }
0x9c: {  	s6 =	simm.s32 $0x0;
	s20 =	sshll.u32 s4, $0x1;
	s4 =	sadd.s32 s21, s2  }
0x9d: {  	[timem:s6], [sflag:s22] =	dma.local [hbm:s4], s20  }
0x9e: {  	_ =	swait.ge [sflag:s22], s20  }
0x9f: {  	s3 =	ssub.s32 $0x0, s20;
	[sflag:s22] =	ssyncset.done $0x0  }
0xa0: {  	[sflag:s22] =	ssyncadd.s32 s3;
	_ =	sdelay $0x1  }
0xa1: {  	s23 =	simm.s32 $0x1B8B  }
0xa2: {  	_ =	swait.ge [sflag:s23], $0x1  }
0xa3: {  	[sflag:s23] =	ssyncset.done $0x0  }
0xa4: {  	s25 =	simm.s32 $0x1B8E;
	s24 =	sld [smem:$0x3FFE];
	[sflag:s23] =	ssyncadd.s32 $0xFFFFFFFF  }
0xa5: {  	s26 =	simm.s32 $execute0_lowered;
	[smem:$0x3FD2] =	sst s25  }
0xa6: {  	s4 =	sshll.u32 s26, $0x1;
	_ =	strace $0x80000046;
	[dreg:$0x1] =	wrdreg $0xFFFFFFFF  }
0xa7: {  	s28 =	simm.s32 $_size_execute0_lowered;
	s2 =	sadd.s32 s2, s4;
	[dreg:$0x0] =	wrdreg $0x0  }
0xa8: {  	s4 =	sshll.u32 s28, $0x1;
	[dreg:$0x2] =	wrdreg s2  }
0xa9: {  	[dreg:$0x3] =	wrdreg s4  }
0xaa: {  	[dreg:$0x4] =	wrdreg $0xC0  }
0xab: {  	_ =	task [dreg:s6], $0x5FFFF  }
0xac: {  	[dreg:$0x1] =	wrdreg $0xFFFFFFFF  }
0xad: {  	[dreg:$0x0] =	wrdreg $0x60  }
0xae: {  	[dreg:$0x2] =	wrdreg s24  }
0xaf: {  	[dreg:$0x3] =	wrdreg $0x9  }
0xb0: {  	_ =	task.clear_ibuf [dreg:s6], $0x4FFFF;
	_ =	strace $0x90000046  }
0xb1: {  	s29 =	simm.s32 $0x9;
	_ =	strace $0x80000048  }
0xb2: {  	_ =	swait.ge [sflag:s29], $0x1  }
0xb3: {  	[sflag:s29] =	ssyncadd.s32 $0xFFFFFFFF  }
0xb4: {  	_ =	strace $0x90000048  }
0xb5: {  	_ =	sfence  }
0xb6: {  	s30 =	sld [smem:$0x0];
	_ =	sdelay $0x2  }
0xb7: {  	s31 =	sshll.u32 s1, $0xD;
	s1 =	sshrl.u32 s1, $0x2  }
0xb8: {  	s3 =	sand.u32 $0x4000, s31;
	s1 =	sadd.s32 s1, s30  }
0xb9: {  	s0 =	sor.u32 s3, s0;
	s1 =	sshll.u32 s1, $0x11  }
0xba: {  	s0 =	sor.u32 s1, s0  }
0xbb: {  	s0 =	sadd.s32 $0x8F2B, s0  }
0xbc: {  	[sflag:s0] =	ssyncadd.remote.s32 $0x1  }
0xbd: {  	_ =	sfence.sel $0xFFFF  }
0xbe: {  	[dreg:$0x0] =	wrdreg $0xFFFFFFFF;
	(pc) =	sbr.abs _section_cstart, $3  }
0xbf: {  	[dreg:$0x1] =	wrdreg $0xFFFFFFFF  }
0xc0: {  	_ =	task.clear_ibuf [dreg:s6], $0x2FFFF;
	_ =	strace $0x9FFFFFFF  }
0xc1: {  	(tm) =	ssettm $0x7FFFFFFF  }
tec
execute0_lowered:
.L_overlay_start_1:
0x0: {  	(tag) =	ssettag $0x1  }
0x1: {  	s1 =	srdreg.scid;
	s0 =	stileid.u32  }
0x2: {  	s5 =	rddreg [dreg:$0x0];
	s2 =	simm.s32 $0x0;
	s8 =	simm.s32 $0x80  }
0x3: {  	s9 =	simm.s32 $0x1;
	s4 =	sand.u32 $0x1, s1;
	s30 =	sshll.u32 s0, $0x1  }
0x4: {  	s10 =	simm.s32 $0x6200;
	s1 =	rddreg [dreg:$0x1];
	s3 =	sor.u32 s4, s30  }
0x5: {  	s11 =	simm.s32 $0x0;
	[smem:$0x7FF] =	sst s2;
	s6 =	smul.u32 $0xC40, s3  }
0x6: {  	_ =	strace $0x80000047;
	s4 =	ssub.s32 $0x2, s4;
	s7 =	smul.u32 $0xC80, s3  }
0x7: {  	s3 =	sadd.s32 $0x19400, s5;
	s31 =	sshrl.u32 s4, $0x1;
	s6 =	sadd.s32 s6, s5  }
0x8: {  	s5 =	sadd.s32 s7, s5;
	s7 =	ssub.s32 s4, s31;
	s4 =	sadd.s32 $0xC00, s6  }
0x9: {  	s5 =	sadd.s32 $0xDCA00, s5;
	s6 =	smax.u32 s7, $0x1;
	s7 =	simm.s32 $0x2  }
.LBB2_1:
0xa: {  	[tilespmem:s2], [sflag:$0x2] =	stream.linear.gather [hbm4b:s4+s2], $0x6200, $0x38;
	[tilespmem:$0xC600] =	vst v63  }
0xb: {  	_ =	swait.ge [sflag:s7], $0x6200  }
0xc: {  	[sflag:s7] =	ssyncset.done $0x0  }
0xd: {  	s12 =	simm.s32 $0x0;
	s13 =	simm.s32 $0x6200;
	[sflag:s7] =	ssyncadd.s32 $0xFFFF9E00  }
0xe: {  	[tilespmem:s13], [sflag:$0x1] =	stream.indirect.gather [hbm4b:s3+s8], $0x1, s12, s8, $0xb8;
	[tilespmem:$0xC600] =	vst v63  }
0xf: {  	s25 =	simm.s32 $0x6280;
	s26 =	simm.s32 $0x80  }
0x10: {  	[tilespmem:s25], [sflag:$0x1] =	stream.indirect.gather [hbm4b:s3+s8], $0x1, s26, s8, $0xb8;
	[tilespmem:$0xC600] =	vst v63  }
0x11: {  	s28 =	simm.s32 $0x6300;
	s29 =	simm.s32 $0x100  }
0x12: {  	[tilespmem:s28], [sflag:$0x1] =	stream.indirect.gather [hbm4b:s3+s8], $0x1, s29, s8, $0xb8;
	[tilespmem:$0xC600] =	vst v63  }
0x13: {  	s30 =	simm.s32 $0x6380;
	s31 =	simm.s32 $0x180  }
0x14: {  	[tilespmem:s30], [sflag:$0x1] =	stream.indirect.gather [hbm4b:s3+s8], $0x1, s31, s8, $0xb8;
	[tilespmem:$0xC600] =	vst v63  }
0x15: {  	s14 =	simm.s32 $0x200;
	s13 =	simm.s32 $0x6400  }
0x16: {  	[tilespmem:s13], [sflag:$0x1] =	stream.indirect.gather [hbm4b:s3+s8], $0x1, s14, s8, $0xb8;
	[tilespmem:$0xC600] =	vst v63  }
0x17: {  	s15 =	simm.s32 $0x6480;
	s16 =	simm.s32 $0x280  }
0x18: {  	[tilespmem:s15], [sflag:$0x1] =	stream.indirect.gather [hbm4b:s3+s8], $0x1, s16, s8, $0xb8;
	[tilespmem:$0xC600] =	vst v63  }
0x19: {  	s17 =	simm.s32 $0x6500;
	s18 =	simm.s32 $0x300  }
0x1a: {  	[tilespmem:s17], [sflag:$0x1] =	stream.indirect.gather [hbm4b:s3+s8], $0x1, s18, s8, $0xb8;
	[tilespmem:$0xC600] =	vst v63  }
0x1b: {  	s19 =	simm.s32 $0x6580;
	s20 =	simm.s32 $0x380  }
0x1c: {  	[tilespmem:s19], [sflag:$0x1] =	stream.indirect.gather [hbm4b:s3+s8], $0x1, s20, s8, $0xb8;
	[tilespmem:$0xC600] =	vst v63  }
0x1d: {  	s21 =	simm.s32 $0x6600;
	s22 =	simm.s32 $0x400  }
0x1e: {  	[tilespmem:s21], [sflag:$0x1] =	stream.indirect.gather [hbm4b:s3+s8], $0x1, s22, s8, $0xb8;
	[tilespmem:$0xC600] =	vst v63  }
0x1f: {  	s23 =	simm.s32 $0x6680;
	s24 =	simm.s32 $0x480;
	s12 =	simm.s32 $0x700  }
0x20: {  	[tilespmem:s23], [sflag:$0x1] =	stream.indirect.gather [hbm4b:s3+s8], $0x1, s24, s8, $0xb8;
	[tilespmem:$0xC600] =	vst v63  }
0x21: {  	s25 =	simm.s32 $0x6700;
	s26 =	simm.s32 $0x500;
	s28 =	simm.s32 $0x6780  }
0x22: {  	[tilespmem:s25], [sflag:$0x1] =	stream.indirect.gather [hbm4b:s3+s8], $0x1, s26, s8, $0xb8;
	[tilespmem:$0xC600] =	vst v63  }
0x23: {  	s29 =	simm.s32 $0x580;
	s30 =	simm.s32 $0x6800;
	s31 =	simm.s32 $0x600  }
0x24: {  	[tilespmem:s28], [sflag:$0x1] =	stream.indirect.gather [hbm4b:s3+s8], $0x1, s29, s8, $0xb8;
	[tilespmem:$0xC600] =	vst v63  }
0x25: {  	s15 =	simm.s32 $0x3800;
	s16 =	simm.s32 $0x6880;
	s17 =	simm.s32 $0x680  }
0x26: {  	[tilespmem:s30], [sflag:$0x1] =	stream.indirect.gather [hbm4b:s3+s8], $0x1, s31, s8, $0xb8;
	[tilespmem:$0xC600] =	vst v63  }
.LBB2_2:
0x27: {  	[tilespmem:s16], [sflag:$0x1] =	stream.indirect.gather [hbm4b:s3+s8], $0x1, s17, s8, $0xb8;
	[tilespmem:$0xC600] =	vst v63  }
0x28: {  	s13 =	smov.u32 s15  }
0x29: {  	s16 =	sadd.s32 $0x6200, s12;
	s14 =	sshra.s32 s13, $0x2;
	s13 =	sadd.s32 $0x1C00, s15  }
0x2a: {  	[tilespmem:s16], [sflag:$0x1] =	stream.indirect.gather [hbm4b:s3+s8], $0x1, s12, s8, $0xb8;
	[tilespmem:$0xC600] =	vst v63  }
0x2b: {  	p0 =	sne.s32 s15, $0x16C00;
	s15 =	sadd.s32 $0x6280, s12;
	s16 =	sadd.s32 $0x80, s12  }
0x2c: {  	[tilespmem:s15], [sflag:$0x1] =	stream.indirect.gather [hbm4b:s3+s8], $0x1, s16, s8, $0xb8;
	[tilespmem:$0xC600] =	vst v63  }
0x2d: {  	s15 =	sadd.s32 $0x6300, s12;
	s16 =	sadd.s32 $0x100, s12  }
0x2e: {  	[tilespmem:s15], [sflag:$0x1] =	stream.indirect.gather [hbm4b:s3+s8], $0x1, s16, s8, $0xb8;
	[tilespmem:$0xC600] =	vst v63  }
0x2f: {  	s15 =	sadd.s32 $0x6380, s12;
	s16 =	sadd.s32 $0x180, s12  }
0x30: {  	[tilespmem:s15], [sflag:$0x1] =	stream.indirect.gather [hbm4b:s3+s8], $0x1, s16, s8, $0xb8;
	[tilespmem:$0xC600] =	vst v63  }
0x31: {  	s15 =	sadd.s32 $0x6400, s12;
	s16 =	sadd.s32 $0x200, s12  }
0x32: {  	[tilespmem:s15], [sflag:$0x1] =	stream.indirect.gather [hbm4b:s3+s8], $0x1, s16, s8, $0xb8;
	[tilespmem:$0xC600] =	vst v63  }
0x33: {  	s15 =	sadd.s32 $0x6480, s12;
	s16 =	sadd.s32 $0x280, s12  }
0x34: {  	[tilespmem:s15], [sflag:$0x1] =	stream.indirect.gather [hbm4b:s3+s8], $0x1, s16, s8, $0xb8;
	[tilespmem:$0xC600] =	vst v63  }
0x35: {  	s15 =	sadd.s32 $0x6500, s12;
	s16 =	sadd.s32 $0x300, s12  }
0x36: {  	[tilespmem:s15], [sflag:$0x1] =	stream.indirect.gather [hbm4b:s3+s8], $0x1, s16, s8, $0xb8;
	[tilespmem:$0xC600] =	vst v63  }
0x37: {  	s15 =	sadd.s32 $0x6580, s12;
	s16 =	sadd.s32 $0x380, s12  }
0x38: {  	[tilespmem:s15], [sflag:$0x1] =	stream.indirect.gather [hbm4b:s3+s8], $0x1, s16, s8, $0xb8;
	[tilespmem:$0xC600] =	vst v63  }
0x39: {  	s15 =	sadd.s32 $0x6600, s12;
	s16 =	sadd.s32 $0x400, s12  }
0x3a: {  	[tilespmem:s15], [sflag:$0x1] =	stream.indirect.gather [hbm4b:s3+s8], $0x1, s16, s8, $0xb8;
	[tilespmem:$0xC600] =	vst v63  }
0x3b: {  	s15 =	sadd.s32 $0x6680, s12;
	s16 =	sadd.s32 $0x480, s12  }
0x3c: {  	[tilespmem:s15], [sflag:$0x1] =	stream.indirect.gather [hbm4b:s3+s8], $0x1, s16, s8, $0xb8;
	[tilespmem:$0xC600] =	vst v63  }
0x3d: {  	s15 =	sadd.s32 $0x6700, s12;
	s16 =	sadd.s32 $0x500, s12  }
0x3e: {  	[tilespmem:s15], [sflag:$0x1] =	stream.indirect.gather [hbm4b:s3+s8], $0x1, s16, s8, $0xb8;
	[tilespmem:$0xC600] =	vst v63  }
.Ltmp0:
0x3f: {  	s15 =	sadd.s32 $0x6780, s12;
	s16 =	sadd.s32 $0x580, s12;
	(pc) =	sbr.rel @p0 .LBB2_2-.Ltmp0, $4  }
0x40: {  	[tilespmem:s15], [sflag:$0x1] =	stream.indirect.gather [hbm4b:s3+s8], $0x1, s16, s8, $0xb8;
	[tilespmem:$0xC600] =	vst v63  }
0x41: {  	s17 =	sadd.s32 $0x680, s12;
	s15 =	sadd.s32 $0x6800, s12;
	s16 =	sadd.s32 $0x600, s12  }
0x42: {  	[tilespmem:s15], [sflag:$0x1] =	stream.indirect.gather [hbm4b:s3+s8], $0x1, s16, s8, $0xb8;
	[tilespmem:$0xC600] =	vst v63  }
0x43: {  	s16 =	sadd.s32 $0x6880, s12;
	s12 =	smov.u32 s14;
	s15 =	smov.u32 s13  }
0x44: {  	[tilespmem:s16], [sflag:$0x1] =	stream.indirect.gather [hbm4b:s3+s8], $0x1, s17, s8, $0xb8;
	[tilespmem:$0xC600] =	vst v63  }
0x45: {  	s13 =	sadd.s32 $0x6200, s12  }
0x46: {  	[tilespmem:s13], [sflag:$0x1] =	stream.indirect.gather [hbm4b:s3+s8], $0x1, s12, s8, $0xb8;
	[tilespmem:$0xC600] =	vst v63  }
0x47: {  	s22 =	sadd.s32 $0x6280, s12;
	s14 =	sadd.s32 $0x80, s12  }
0x48: {  	[tilespmem:s22], [sflag:$0x1] =	stream.indirect.gather [hbm4b:s3+s8], $0x1, s14, s8, $0xb8;
	[tilespmem:$0xC600] =	vst v63  }
0x49: {  	s23 =	sadd.s32 $0x6300, s12;
	s24 =	sadd.s32 $0x100, s12  }
0x4a: {  	[tilespmem:s23], [sflag:$0x1] =	stream.indirect.gather [hbm4b:s3+s8], $0x1, s24, s8, $0xb8;
	[tilespmem:$0xC600] =	vst v63  }
0x4b: {  	s25 =	sadd.s32 $0x6380, s12;
	s26 =	sadd.s32 $0x180, s12  }
0x4c: {  	[tilespmem:s25], [sflag:$0x1] =	stream.indirect.gather [hbm4b:s3+s8], $0x1, s26, s8, $0xb8;
	[tilespmem:$0xC600] =	vst v63  }
0x4d: {  	s28 =	sadd.s32 $0x6400, s12;
	s29 =	sadd.s32 $0x200, s12  }
0x4e: {  	[tilespmem:s28], [sflag:$0x1] =	stream.indirect.gather [hbm4b:s3+s8], $0x1, s29, s8, $0xb8;
	[tilespmem:$0xC600] =	vst v63  }
0x4f: {  	s30 =	sadd.s32 $0x6480, s12;
	s31 =	sadd.s32 $0x280, s12  }
0x50: {  	[tilespmem:s30], [sflag:$0x1] =	stream.indirect.gather [hbm4b:s3+s8], $0x1, s31, s8, $0xb8;
	[tilespmem:$0xC600] =	vst v63  }
0x51: {  	s15 =	sadd.s32 $0x6500, s12;
	s16 =	sadd.s32 $0x300, s12  }
0x52: {  	[tilespmem:s15], [sflag:$0x1] =	stream.indirect.gather [hbm4b:s3+s8], $0x1, s16, s8, $0xb8;
	[tilespmem:$0xC600] =	vst v63  }
0x53: {  	s17 =	sadd.s32 $0x6580, s12;
	s18 =	sadd.s32 $0x380, s12  }
0x54: {  	[tilespmem:s17], [sflag:$0x1] =	stream.indirect.gather [hbm4b:s3+s8], $0x1, s18, s8, $0xb8;
	[tilespmem:$0xC600] =	vst v63  }
0x55: {  	s19 =	sadd.s32 $0x6600, s12;
	s20 =	sadd.s32 $0x400, s12  }
0x56: {  	[tilespmem:s19], [sflag:$0x1] =	stream.indirect.gather [hbm4b:s3+s8], $0x1, s20, s8, $0xb8;
	[tilespmem:$0xC600] =	vst v63  }
0x57: {  	s21 =	sadd.s32 $0x6680, s12;
	s22 =	sadd.s32 $0x480, s12  }
0x58: {  	[tilespmem:s21], [sflag:$0x1] =	stream.indirect.gather [hbm4b:s3+s8], $0x1, s22, s8, $0xb8;
	[tilespmem:$0xC600] =	vst v63  }
0x59: {  	s23 =	sadd.s32 $0x6700, s12;
	s24 =	sadd.s32 $0x500, s12  }
0x5a: {  	[tilespmem:s23], [sflag:$0x1] =	stream.indirect.gather [hbm4b:s3+s8], $0x1, s24, s8, $0xb8;
	[tilespmem:$0xC600] =	vst v63  }
0x5b: {  	s25 =	sadd.s32 $0x6780, s12;
	s26 =	sadd.s32 $0x580, s12  }
0x5c: {  	[tilespmem:s25], [sflag:$0x1] =	stream.indirect.gather [hbm4b:s3+s8], $0x1, s26, s8, $0xb8;
	[tilespmem:$0xC600] =	vst v63  }
0x5d: {  	s28 =	sadd.s32 $0x6800, s12;
	s29 =	sadd.s32 $0x600, s12  }
0x5e: {  	[tilespmem:s28], [sflag:$0x1] =	stream.indirect.gather [hbm4b:s3+s8], $0x1, s29, s8, $0xb8;
	[tilespmem:$0xC600] =	vst v63  }
0x5f: {  	s30 =	sadd.s32 $0x6880, s12;
	s31 =	sadd.s32 $0x680, s12  }
0x60: {  	[tilespmem:s30], [sflag:$0x1] =	stream.indirect.gather [hbm4b:s3+s8], $0x1, s31, s8, $0xb8;
	[tilespmem:$0xC600] =	vst v63  }
0x61: {  	s11 =	sadd.s32 $0x1, s11;
	_ =	swait.ge [sflag:s9], $0x6200  }
0x62: {  	p0 =	sne.s32 s11, s6;
	[sflag:s9] =	ssyncset.done $0x0  }
.Ltmp1:
0x63: {  	[sflag:s9] =	ssyncadd.s32 $0xFFFF9E00;
	(pc) =	sbr.rel @p0 .LBB2_1-.Ltmp1, $4  }
0x64: {  	[hbm4b:s5+s2] =	stream.linear.scatter [tilespmem:s10], [sflag:$0x2], $0x6200, $0x38;
	[tilespmem:$0xC600] =	vst v63  }
0x65: {  	_ =	swait.ge [sflag:s7], $0x6200  }
0x66: {  	[sflag:s7] =	ssyncset.done $0x0  }
0x67: {  	[sflag:s7] =	ssyncadd.s32 $0xFFFF9E00  }
0x68: {  	_ =	sfence.sel $0x180000  }
0x69: {  	[bflag:$0x0] =	sbarrier.arrive $0xFFFF  }
0x6a: {  	p0 =	sne.s32 s0, $0x0;
	_ =	strace $0x90000047  }
0x6b: {  	s0 =	sadd.s32 @!p0 $0x100000, s1;
	[bflag:$0x2] =	sbarrier.arrive $0xFFFF  }
0x6c: {  	[sflag:s0] =	ssyncadd.tile.s32 @!p0 $0x1;
	_ =	shalt  }
.Lfunc_end2:
_tile_overlayer_lowered:
.L_overlay_start_2:
0x6d: {  	(tag) =	ssettag $0x2  }
0x6e: {  	s0 =	rddreg [dreg:$0x0];
	s2 =	stileid.u32  }
0x6f: {  	s1 =	rddreg [dreg:$0x1];
	p0 =	sne.s32 s2, $0x0  }
0x70: {  	s3 =	rddreg [dreg:$0x2];
	[bflag:$0x3] =	sbarrier.arrive $0xFFFF;
	s2 =	simm.s32 @!p0 $0x1C02  }
0x71: {  	[timem:s3], [sflag:s2] =	dma.local @!p0 [hbm:s0], s1  }
0x72: {  	s0 =	simm.s32 @!p0 $0x2  }
0x73: {  	_ =	swait.ge @!p0 [sflag:s0], s1  }
0x74: {  	s1 =	ssub.s32 @!p0 $0x0, s1;
	[sflag:s0] =	ssyncset.done @!p0 $0x0  }
0x75: {  	[sflag:s0] =	ssyncadd.s32 @!p0 s1  }
0x76: {  	[bflag:$0x3] =	sbarrier.arrive $0xFFFF  }
0x77: {  	_ =	shalt  }

</sc_bundles>
